<compile_context>
chip_gen: v7x
topology: tpu7x:2x2x1
jax: 0.10.2.dev20260603
libtpu: 0.0.44.dev20260713+nightly
codegen_flags: <defaults>
</compile_context>

<pallas_src>
import functools
import jax
import jax.numpy as jnp
from jax import lax
from jax.experimental import pallas as pl
from jax.experimental.pallas import tpu as pltpu
from jax.experimental.pallas import tpu_sc as plsc

_NW = 32
_RPW = 312
_RLAST = 10000 - 31 * _RPW


def _sc_body(x_hbm, out_hbm, xs_v, acc_v, sem):
    wid = lax.axis_index("s") * 2 + lax.axis_index("c")
    base = wid * _RPW

    def do_rows(nrows):
        pltpu.sync_copy(x_hbm.at[pl.ds(base, nrows), :], xs_v.at[pl.ds(0, nrows), :])

        def body(i, accs):
            return tuple(
                accs[k] + xs_v[i, pl.ds(k * 16, 16)] for k in range(8)
            )

        accs = lax.fori_loop(
            0, nrows, body, tuple(jnp.zeros((16,), jnp.float32) for _ in range(8))
        )
        for k in range(8):
            acc_v[0, pl.ds(k * 16, 16)] = accs[k]
        pltpu.sync_copy(acc_v, out_hbm.at[pl.ds(wid, 1), :])

    @pl.when(wid < _NW - 1)
    def _main():
        do_rows(_RPW)

    @pl.when(wid == _NW - 1)
    def _tail():
        do_rows(_RLAST)


def _sc_partials(x):
    kfn = functools.partial(
        pl.kernel,
        mesh=plsc.VectorSubcoreMesh(core_axis_name="c", subcore_axis_name="s"),
        out_type=jax.ShapeDtypeStruct((_NW, 128), jnp.float32),
        scratch_types=[
            pltpu.VMEM((_RLAST, 128), jnp.float32),
            pltpu.VMEM((1, 128), jnp.float32),
            pltpu.SemaphoreType.DMA,
        ],
    )
    return kfn(_sc_body)(x)


def _tc_body(n, x_ref, w_ref, p_ref, xout_ref, score_ref):
    xv = x_ref[...]
    w = w_ref[...]
    d = w.shape[1]
    w2 = w * lax.rsqrt(jnp.sum(w * w))
    colsum = jnp.sum(p_ref[...], axis=0, keepdims=True)
    c = jnp.sum(colsum * w2) / n
    s_row = lax.dot_general(
        w2, xv, (((1,), (1,)), ((), ())), preferred_element_type=jnp.float32
    )
    score_ref[...] = jnp.tanh(s_row - c)
    w2t = lax.transpose(w2, (1, 0))
    wb = lax.broadcast_in_dim(w2t, (d, d), (0, 1))
    sb = lax.dot_general(
        xv, wb, (((1,), (0,)), ((), ())), preferred_element_type=jnp.float32
    )
    xout_ref[...] = xv * jnp.tanh(sb - c)


def kernel(x, edge_index, weight):
    n, d = x.shape
    partials = _sc_partials(x)

    def body(*refs):
        _tc_body(n, *refs)

    x_out, score = pl.pallas_call(
        body,
        out_shape=(
            jax.ShapeDtypeStruct((n, d), x.dtype),
            jax.ShapeDtypeStruct((1, n), x.dtype),
        ),
    )(x, weight, partials)
    return x_out, score

# --- scband reference (transcript-rebuilt; emitter-appended) ---
"""Pipeline reference for scband-get-score-10943576671043 (READ-ONLY COPY).

The authoritative reference and input builder live on the scoring server;
editing this copy changes nothing except your own understanding.
"""

import jax, jax.numpy as jnp
import numpy as np

N_NODES = 10000
D_FEAT = 128
N_EDGES = 320000


def setup_inputs(seed: int = 0) -> dict:
    key = jax.random.key(seed)
    k1, k2, k3 = jax.random.split(key, 3)
    x = jax.random.normal(k1, (N_NODES, D_FEAT), dtype=jnp.float32)
    edge_index = jax.random.randint(k2, (2, N_EDGES), 0, N_NODES, dtype=jnp.int64)
    # learnable projection vector p, initialized like PyG uniform(size, tensor):
    # bound = 1/sqrt(in_channels), uniform(-bound, bound)
    bound = 1.0 / np.sqrt(D_FEAT)
    weight = jax.random.uniform(k3, (1, D_FEAT), dtype=jnp.float32, minval=-bound, maxval=bound)
    return {"x": x, "edge_index": edge_index, "weight": weight}


def reference(x, edge_index, weight):
    # batch is None -> batch = zeros(N), so num_graphs = batch.max()+1 = 1
    # attn is None -> attn = x
    score = (x * weight).sum(axis=-1)                      # [N]
    score = score.reshape(1, -1)                           # [num_graphs, N/num_graphs]
    score = score - score.mean(axis=1, keepdims=True)      # center per graph
    score = score.reshape(-1)                              # [N]
    w_norm = jnp.linalg.norm(weight, ord=2, axis=-1)       # scalar (shape [1])
    score = jnp.tanh(score / w_norm)                       # nonlinearity(score / ||p||)
    x_out = x * score.reshape(-1, 1)                       # [N, d]
    return (x_out, score.reshape(1, -1))

if __name__ == "__main__":
    import jax
    _d = setup_inputs()
    print(jax.jit(kernel)(*tuple(_d.values())))

</pallas_src>

<mosaic_0001>
#map = affine_map<(d0, d1) -> (0, 0)>
module attributes {stable_mosaic.version = 14 : i64} {
  func.func @_sc_body(%arg0: i32, %arg1: i32, %arg2: memref<10000x128xf32, #tpu.memory_space<hbm>>, %arg3: memref<32x128xf32, #tpu.memory_space<hbm>>, %arg4: memref<328x128xf32, #tpu.memory_space<vmem>>, %arg5: memref<1x128xf32, #tpu.memory_space<vmem>>, %arg6: memref<!tpu.dma_semaphore, #tpu.memory_space<semaphore_mem>>) attributes {dimension_semantics = [#tpu.dimension_semantics<core_parallel>, #tpu.dimension_semantics<subcore_parallel>], iteration_bounds = array<i64: 2, 16>, scalar_prefetch = 0 : i64, scratch_operands = 3 : i64, tpu.core_type = #tpu.core_type<sc_vector_subcore>, window_params = [{transform_indices = #map}, {transform_indices = #map}]} {
    %mul3A = arith.constant 2 : i32
    %mul3A_0 = arith.muli %arg1, %mul3A : i32
    %add3A = arith.addi %mul3A_0, %arg0 : i32
    %mul3A_1 = arith.constant 312 : i32
    %mul3A_2 = arith.muli %add3A, %mul3A_1 : i32
    %lt3A = arith.constant 31 : i32
    %lt3A_3 = arith.cmpi slt, %add3A, %lt3A : i32
    %convert_element_type3A = arith.extui %lt3A_3 : i1 to i32
    %cond3A = arith.constant 0 : i32
    %cond3A_4 = arith.cmpi ne, %convert_element_type3A, %cond3A : i32
    scf.if %cond3A_4 {
      "tpu.region"() ({
        %run_scoped3A = tpu.sem_alloc : memref<!tpu.dma_semaphore, #tpu.memory_space<semaphore_mem>>
        %dma_start3A = arith.constant 0 : i32
        %dma_start3A_76 = arith.constant 0 : i32
        %dma_start3A_77 = tpu.memref_slice %arg4[%dma_start3A, %dma_start3A_76] : memref<328x128xf32, #tpu.memory_space<vmem>> -> memref<312x128xf32, #tpu.memory_space<vmem>>
        %dma_start3A_78 = arith.constant 0 : i32
        %dma_start3A_79 = tpu.memref_slice %arg2[%mul3A_2, %dma_start3A_78] : memref<10000x128xf32, #tpu.memory_space<hbm>> -> memref<312x128xf32, #tpu.memory_space<hbm>>
        %dma_start3A_80 = arith.constant 0 : i32
        %dma_start3A_81 = arith.constant 0 : i32
        %dma_start3A_82 = tpu.memref_slice %arg4[%dma_start3A_80, %dma_start3A_81] : memref<328x128xf32, #tpu.memory_space<vmem>> -> memref<312x128xf32, #tpu.memory_space<vmem>>
        %dma_start3A_83 = arith.constant 0 : i32
        %dma_start3A_84 = tpu.memref_slice %arg2[%mul3A_2, %dma_start3A_83] : memref<10000x128xf32, #tpu.memory_space<hbm>> -> memref<312x128xf32, #tpu.memory_space<hbm>>
        tpu.enqueue_dma source(%dma_start3A_84 : memref<312x128xf32, #tpu.memory_space<hbm>>) target(%dma_start3A_82 : memref<312x128xf32, #tpu.memory_space<vmem>>) target_semaphore(%run_scoped3A : memref<!tpu.dma_semaphore, #tpu.memory_space<semaphore_mem>>)
        %dma_wait3A = arith.constant 0 : i32
        %dma_wait3A_85 = arith.constant 0 : i32
        %dma_wait3A_86 = tpu.memref_slice %arg4[%dma_wait3A, %dma_wait3A_85] : memref<328x128xf32, #tpu.memory_space<vmem>> -> memref<312x128xf32, #tpu.memory_space<vmem>>
        %dma_wait3A_87 = arith.constant 0 : i32
        %dma_wait3A_88 = tpu.memref_slice %arg2[%mul3A_2, %dma_wait3A_87] : memref<10000x128xf32, #tpu.memory_space<hbm>> -> memref<312x128xf32, #tpu.memory_space<hbm>>
        %dma_wait3A_89 = arith.constant 0 : i32
        %dma_wait3A_90 = arith.constant 0 : i32
        %dma_wait3A_91 = tpu.memref_slice %arg4[%dma_wait3A_89, %dma_wait3A_90] : memref<328x128xf32, #tpu.memory_space<vmem>> -> memref<312x128xf32, #tpu.memory_space<vmem>>
        %dma_wait3A_92 = arith.constant 0 : i32
        %dma_wait3A_93 = tpu.memref_slice %arg2[%mul3A_2, %dma_wait3A_92] : memref<10000x128xf32, #tpu.memory_space<hbm>> -> memref<312x128xf32, #tpu.memory_space<hbm>>
        tpu.wait_dma2 semaphore(%run_scoped3A : memref<!tpu.dma_semaphore, #tpu.memory_space<semaphore_mem>>) src(%dma_wait3A_93 : memref<312x128xf32, #tpu.memory_space<hbm>>) dst(%dma_wait3A_91 : memref<312x128xf32, #tpu.memory_space<vmem>>)
        tpu.yield
      }) : () -> ()
      %broadcast_in_dim3A = arith.constant 0.000000e+00 : f32
      %broadcast_in_dim3A_9 = vector.broadcast %broadcast_in_dim3A : f32 to vector<16xf32>
      %broadcast_in_dim3A_10 = arith.constant 0.000000e+00 : f32
      %broadcast_in_dim3A_11 = vector.broadcast %broadcast_in_dim3A_10 : f32 to vector<16xf32>
      %broadcast_in_dim3A_12 = arith.constant 0.000000e+00 : f32
      %broadcast_in_dim3A_13 = vector.broadcast %broadcast_in_dim3A_12 : f32 to vector<16xf32>
      %broadcast_in_dim3A_14 = arith.constant 0.000000e+00 : f32
      %broadcast_in_dim3A_15 = vector.broadcast %broadcast_in_dim3A_14 : f32 to vector<16xf32>
      %broadcast_in_dim3A_16 = arith.constant 0.000000e+00 : f32
      %broadcast_in_dim3A_17 = vector.broadcast %broadcast_in_dim3A_16 : f32 to vector<16xf32>
      %broadcast_in_dim3A_18 = arith.constant 0.000000e+00 : f32
      %broadcast_in_dim3A_19 = vector.broadcast %broadcast_in_dim3A_18 : f32 to vector<16xf32>
      %broadcast_in_dim3A_20 = arith.constant 0.000000e+00 : f32
      %broadcast_in_dim3A_21 = vector.broadcast %broadcast_in_dim3A_20 : f32 to vector<16xf32>
      %broadcast_in_dim3A_22 = arith.constant 0.000000e+00 : f32
      %broadcast_in_dim3A_23 = vector.broadcast %broadcast_in_dim3A_22 : f32 to vector<16xf32>
      %scan3A = arith.constant 0 : i32
      %scan3A_24 = arith.constant 312 : i32
      %scan3A_25 = arith.addi %scan3A, %scan3A_24 : i32
      %scan3A_26 = arith.constant 1 : i32
      %scan3A_27:8 = scf.for %scan3A_76 = %scan3A to %scan3A_25 step %scan3A_26 iter_args(%scan3A_77 = %broadcast_in_dim3A_9, %scan3A_78 = %broadcast_in_dim3A_11, %scan3A_79 = %broadcast_in_dim3A_13, %scan3A_80 = %broadcast_in_dim3A_15, %scan3A_81 = %broadcast_in_dim3A_17, %scan3A_82 = %broadcast_in_dim3A_19, %scan3A_83 = %broadcast_in_dim3A_21, %scan3A_84 = %broadcast_in_dim3A_23) -> (vector<16xf32>, vector<16xf32>, vector<16xf32>, vector<16xf32>, vector<16xf32>, vector<16xf32>, vector<16xf32>, vector<16xf32>)  : i32 {
        %get3A = arith.index_cast %scan3A_76 : i32 to index
        %get3A_85 = arith.constant 0 : index
        %get3A_86 = tpu.vector_load %arg4[%get3A, %get3A_85] {strides = array<i32>} : memref<328x128xf32, #tpu.memory_space<vmem>>, vector<1x16xf32>,
        %get3A_87 = vector.shape_cast %get3A_86 : vector<1x16xf32> to vector<16xf32>
        %add3A_88 = arith.addf %scan3A_77, %get3A_87 : vector<16xf32>
        %get3A_89 = arith.index_cast %scan3A_76 : i32 to index
        %get3A_90 = arith.constant 16 : index
        %get3A_91 = tpu.vector_load %arg4[%get3A_89, %get3A_90] {strides = array<i32>} : memref<328x128xf32, #tpu.memory_space<vmem>>, vector<1x16xf32>,
        %get3A_92 = vector.shape_cast %get3A_91 : vector<1x16xf32> to vector<16xf32>
        %add3A_93 = arith.addf %scan3A_78, %get3A_92 : vector<16xf32>
        %get3A_94 = arith.index_cast %scan3A_76 : i32 to index
        %get3A_95 = arith.constant 32 : index
        %get3A_96 = tpu.vector_load %arg4[%get3A_94, %get3A_95] {strides = array<i32>} : memref<328x128xf32, #tpu.memory_space<vmem>>, vector<1x16xf32>,
        %get3A_97 = vector.shape_cast %get3A_96 : vector<1x16xf32> to vector<16xf32>
        %add3A_98 = arith.addf %scan3A_79, %get3A_97 : vector<16xf32>
        %get3A_99 = arith.index_cast %scan3A_76 : i32 to index
        %get3A_100 = arith.constant 48 : index
        %get3A_101 = tpu.vector_load %arg4[%get3A_99, %get3A_100] {strides = array<i32>} : memref<328x128xf32, #tpu.memory_space<vmem>>, vector<1x16xf32>,
        %get3A_102 = vector.shape_cast %get3A_101 : vector<1x16xf32> to vector<16xf32>
        %add3A_103 = arith.addf %scan3A_80, %get3A_102 : vector<16xf32>
        %get3A_104 = arith.index_cast %scan3A_76 : i32 to index
        %get3A_105 = arith.constant 64 : index
        %get3A_106 = tpu.vector_load %arg4[%get3A_104, %get3A_105] {strides = array<i32>} : memref<328x128xf32, #tpu.memory_space<vmem>>, vector<1x16xf32>,
        %get3A_107 = vector.shape_cast %get3A_106 : vector<1x16xf32> to vector<16xf32>
        %add3A_108 = arith.addf %scan3A_81, %get3A_107 : vector<16xf32>
        %get3A_109 = arith.index_cast %scan3A_76 : i32 to index
        %get3A_110 = arith.constant 80 : index
        %get3A_111 = tpu.vector_load %arg4[%get3A_109, %get3A_110] {strides = array<i32>} : memref<328x128xf32, #tpu.memory_space<vmem>>, vector<1x16xf32>,
        %get3A_112 = vector.shape_cast %get3A_111 : vector<1x16xf32> to vector<16xf32>
        %add3A_113 = arith.addf %scan3A_82, %get3A_112 : vector<16xf32>
        %get3A_114 = arith.index_cast %scan3A_76 : i32 to index
        %get3A_115 = arith.constant 96 : index
        %get3A_116 = tpu.vector_load %arg4[%get3A_114, %get3A_115] {strides = array<i32>} : memref<328x128xf32, #tpu.memory_space<vmem>>, vector<1x16xf32>,
        %get3A_117 = vector.shape_cast %get3A_116 : vector<1x16xf32> to vector<16xf32>
        %add3A_118 = arith.addf %scan3A_83, %get3A_117 : vector<16xf32>
        %get3A_119 = arith.index_cast %scan3A_76 : i32 to index
        %get3A_120 = arith.constant 112 : index
        %get3A_121 = tpu.vector_load %arg4[%get3A_119, %get3A_120] {strides = array<i32>} : memref<328x128xf32, #tpu.memory_space<vmem>>, vector<1x16xf32>,
        %get3A_122 = vector.shape_cast %get3A_121 : vector<1x16xf32> to vector<16xf32>
        %add3A_123 = arith.addf %scan3A_84, %get3A_122 : vector<16xf32>
        scf.yield %add3A_88, %add3A_93, %add3A_98, %add3A_103, %add3A_108, %add3A_113, %add3A_118, %add3A_123 : vector<16xf32>, vector<16xf32>, vector<16xf32>, vector<16xf32>, vector<16xf32>, vector<16xf32>, vector<16xf32>, vector<16xf32>
      }
      %scan3A_28 = arith.constant 312 : i32
      %swap3A = arith.constant 0 : i32
      %swap3A_29 = arith.index_cast %swap3A : i32 to index
      %swap3A_30 = arith.constant 0 : index
      %swap3A_31 = tpu.vector_load %arg5[%swap3A_29, %swap3A_30] {strides = array<i32>} : memref<1x128xf32, #tpu.memory_space<vmem>>, vector<1x16xf32>,
      %swap3A_32 = vector.shape_cast %swap3A_31 : vector<1x16xf32> to vector<16xf32>
      %swap3A_33 = vector.shape_cast %scan3A_27#0 : vector<16xf32> to vector<1x16xf32>
      tpu.vector_store %arg5[%swap3A_29, %swap3A_30], %swap3A_33 {strides = array<i32>} : memref<1x128xf32, #tpu.memory_space<vmem>>, vector<1x16xf32>,
      %swap3A_34 = arith.constant 0 : i32
      %swap3A_35 = arith.index_cast %swap3A_34 : i32 to index
      %swap3A_36 = arith.constant 16 : index
      %swap3A_37 = tpu.vector_load %arg5[%swap3A_35, %swap3A_36] {strides = array<i32>} : memref<1x128xf32, #tpu.memory_space<vmem>>, vector<1x16xf32>,
      %swap3A_38 = vector.shape_cast %swap3A_37 : vector<1x16xf32> to vector<16xf32>
      %swap3A_39 = vector.shape_cast %scan3A_27#1 : vector<16xf32> to vector<1x16xf32>
      tpu.vector_store %arg5[%swap3A_35, %swap3A_36], %swap3A_39 {strides = array<i32>} : memref<1x128xf32, #tpu.memory_space<vmem>>, vector<1x16xf32>,
      %swap3A_40 = arith.constant 0 : i32
      %swap3A_41 = arith.index_cast %swap3A_40 : i32 to index
      %swap3A_42 = arith.constant 32 : index
      %swap3A_43 = tpu.vector_load %arg5[%swap3A_41, %swap3A_42] {strides = array<i32>} : memref<1x128xf32, #tpu.memory_space<vmem>>, vector<1x16xf32>,
      %swap3A_44 = vector.shape_cast %swap3A_43 : vector<1x16xf32> to vector<16xf32>
      %swap3A_45 = vector.shape_cast %scan3A_27#2 : vector<16xf32> to vector<1x16xf32>
      tpu.vector_store %arg5[%swap3A_41, %swap3A_42], %swap3A_45 {strides = array<i32>} : memref<1x128xf32, #tpu.memory_space<vmem>>, vector<1x16xf32>,
      %swap3A_46 = arith.constant 0 : i32
      %swap3A_47 = arith.index_cast %swap3A_46 : i32 to index
      %swap3A_48 = arith.constant 48 : index
      %swap3A_49 = tpu.vector_load %arg5[%swap3A_47, %swap3A_48] {strides = array<i32>} : memref<1x128xf32, #tpu.memory_space<vmem>>, vector<1x16xf32>,
      %swap3A_50 = vector.shape_cast %swap3A_49 : vector<1x16xf32> to vector<16xf32>
      %swap3A_51 = vector.shape_cast %scan3A_27#3 : vector<16xf32> to vector<1x16xf32>
      tpu.vector_store %arg5[%swap3A_47, %swap3A_48], %swap3A_51 {strides = array<i32>} : memref<1x128xf32, #tpu.memory_space<vmem>>, vector<1x16xf32>,
      %swap3A_52 = arith.constant 0 : i32
      %swap3A_53 = arith.index_cast %swap3A_52 : i32 to index
      %swap3A_54 = arith.constant 64 : index
      %swap3A_55 = tpu.vector_load %arg5[%swap3A_53, %swap3A_54] {strides = array<i32>} : memref<1x128xf32, #tpu.memory_space<vmem>>, vector<1x16xf32>,
      %swap3A_56 = vector.shape_cast %swap3A_55 : vector<1x16xf32> to vector<16xf32>
      %swap3A_57 = vector.shape_cast %scan3A_27#4 : vector<16xf32> to vector<1x16xf32>
      tpu.vector_store %arg5[%swap3A_53, %swap3A_54], %swap3A_57 {strides = array<i32>} : memref<1x128xf32, #tpu.memory_space<vmem>>, vector<1x16xf32>,
      %swap3A_58 = arith.constant 0 : i32
      %swap3A_59 = arith.index_cast %swap3A_58 : i32 to index
      %swap3A_60 = arith.constant 80 : index
      %swap3A_61 = tpu.vector_load %arg5[%swap3A_59, %swap3A_60] {strides = array<i32>} : memref<1x128xf32, #tpu.memory_space<vmem>>, vector<1x16xf32>,
      %swap3A_62 = vector.shape_cast %swap3A_61 : vector<1x16xf32> to vector<16xf32>
      %swap3A_63 = vector.shape_cast %scan3A_27#5 : vector<16xf32> to vector<1x16xf32>
      tpu.vector_store %arg5[%swap3A_59, %swap3A_60], %swap3A_63 {strides = array<i32>} : memref<1x128xf32, #tpu.memory_space<vmem>>, vector<1x16xf32>,
      %swap3A_64 = arith.constant 0 : i32
      %swap3A_65 = arith.index_cast %swap3A_64 : i32 to index
      %swap3A_66 = arith.constant 96 : index
      %swap3A_67 = tpu.vector_load %arg5[%swap3A_65, %swap3A_66] {strides = array<i32>} : memref<1x128xf32, #tpu.memory_space<vmem>>, vector<1x16xf32>,
      %swap3A_68 = vector.shape_cast %swap3A_67 : vector<1x16xf32> to vector<16xf32>
      %swap3A_69 = vector.shape_cast %scan3A_27#6 : vector<16xf32> to vector<1x16xf32>
      tpu.vector_store %arg5[%swap3A_65, %swap3A_66], %swap3A_69 {strides = array<i32>} : memref<1x128xf32, #tpu.memory_space<vmem>>, vector<1x16xf32>,
      %swap3A_70 = arith.constant 0 : i32
      %swap3A_71 = arith.index_cast %swap3A_70 : i32 to index
      %swap3A_72 = arith.constant 112 : index
      %swap3A_73 = tpu.vector_load %arg5[%swap3A_71, %swap3A_72] {strides = array<i32>} : memref<1x128xf32, #tpu.memory_space<vmem>>, vector<1x16xf32>,
      %swap3A_74 = vector.shape_cast %swap3A_73 : vector<1x16xf32> to vector<16xf32>
      %swap3A_75 = vector.shape_cast %scan3A_27#7 : vector<16xf32> to vector<1x16xf32>
      tpu.vector_store %arg5[%swap3A_71, %swap3A_72], %swap3A_75 {strides = array<i32>} : memref<1x128xf32, #tpu.memory_space<vmem>>, vector<1x16xf32>,
      "tpu.region"() ({
        %run_scoped3A = tpu.sem_alloc : memref<!tpu.dma_semaphore, #tpu.memory_space<semaphore_mem>>
        %dma_start3A = arith.constant 0 : i32
        %dma_start3A_76 = tpu.memref_slice %arg3[%add3A, %dma_start3A] : memref<32x128xf32, #tpu.memory_space<hbm>> -> memref<1x128xf32, #tpu.memory_space<hbm>>
        %dma_start3A_77 = arith.constant 0 : i32
        %dma_start3A_78 = tpu.memref_slice %arg3[%add3A, %dma_start3A_77] : memref<32x128xf32, #tpu.memory_space<hbm>> -> memref<1x128xf32, #tpu.memory_space<hbm>>
        tpu.enqueue_dma source(%arg5 : memref<1x128xf32, #tpu.memory_space<vmem>>) target(%dma_start3A_78 : memref<1x128xf32, #tpu.memory_space<hbm>>) target_semaphore(%run_scoped3A : memref<!tpu.dma_semaphore, #tpu.memory_space<semaphore_mem>>)
        %dma_wait3A = arith.constant 0 : i32
        %dma_wait3A_79 = tpu.memref_slice %arg3[%add3A, %dma_wait3A] : memref<32x128xf32, #tpu.memory_space<hbm>> -> memref<1x128xf32, #tpu.memory_space<hbm>>
        %dma_wait3A_80 = arith.constant 0 : i32
        %dma_wait3A_81 = tpu.memref_slice %arg3[%add3A, %dma_wait3A_80] : memref<32x128xf32, #tpu.memory_space<hbm>> -> memref<1x128xf32, #tpu.memory_space<hbm>>
        tpu.wait_dma2 semaphore(%run_scoped3A : memref<!tpu.dma_semaphore, #tpu.memory_space<semaphore_mem>>) src(%arg5 : memref<1x128xf32, #tpu.memory_space<vmem>>) dst(%dma_wait3A_81 : memref<1x128xf32, #tpu.memory_space<hbm>>)
        tpu.yield
      }) : () -> ()
    } else {
    }
    %eq3A = arith.constant 31 : i32
    %eq3A_5 = arith.cmpi eq, %add3A, %eq3A : i32
    %convert_element_type3A_6 = arith.extui %eq3A_5 : i1 to i32
    %cond3A_7 = arith.constant 0 : i32
    %cond3A_8 = arith.cmpi ne, %convert_element_type3A_6, %cond3A_7 : i32
    scf.if %cond3A_8 {
      "tpu.region"() ({
        %run_scoped3A = tpu.sem_alloc : memref<!tpu.dma_semaphore, #tpu.memory_space<semaphore_mem>>
        %dma_start3A = arith.constant 0 : i32
        %dma_start3A_76 = arith.constant 0 : i32
        %dma_start3A_77 = tpu.memref_slice %arg4[%dma_start3A, %dma_start3A_76] : memref<328x128xf32, #tpu.memory_space<vmem>> -> memref<328x128xf32, #tpu.memory_space<vmem>>
        %dma_start3A_78 = arith.constant 0 : i32
        %dma_start3A_79 = tpu.memref_slice %arg2[%mul3A_2, %dma_start3A_78] : memref<10000x128xf32, #tpu.memory_space<hbm>> -> memref<328x128xf32, #tpu.memory_space<hbm>>
        %dma_start3A_80 = arith.constant 0 : i32
        %dma_start3A_81 = arith.constant 0 : i32
        %dma_start3A_82 = tpu.memref_slice %arg4[%dma_start3A_80, %dma_start3A_81] : memref<328x128xf32, #tpu.memory_space<vmem>> -> memref<328x128xf32, #tpu.memory_space<vmem>>
        %dma_start3A_83 = arith.constant 0 : i32
        %dma_start3A_84 = tpu.memref_slice %arg2[%mul3A_2, %dma_start3A_83] : memref<10000x128xf32, #tpu.memory_space<hbm>> -> memref<328x128xf32, #tpu.memory_space<hbm>>
        tpu.enqueue_dma source(%dma_start3A_84 : memref<328x128xf32, #tpu.memory_space<hbm>>) target(%dma_start3A_82 : memref<328x128xf32, #tpu.memory_space<vmem>>) target_semaphore(%run_scoped3A : memref<!tpu.dma_semaphore, #tpu.memory_space<semaphore_mem>>)
        %dma_wait3A = arith.constant 0 : i32
        %dma_wait3A_85 = arith.constant 0 : i32
        %dma_wait3A_86 = tpu.memref_slice %arg4[%dma_wait3A, %dma_wait3A_85] : memref<328x128xf32, #tpu.memory_space<vmem>> -> memref<328x128xf32, #tpu.memory_space<vmem>>
        %dma_wait3A_87 = arith.constant 0 : i32
        %dma_wait3A_88 = tpu.memref_slice %arg2[%mul3A_2, %dma_wait3A_87] : memref<10000x128xf32, #tpu.memory_space<hbm>> -> memref<328x128xf32, #tpu.memory_space<hbm>>
        %dma_wait3A_89 = arith.constant 0 : i32
        %dma_wait3A_90 = arith.constant 0 : i32
        %dma_wait3A_91 = tpu.memref_slice %arg4[%dma_wait3A_89, %dma_wait3A_90] : memref<328x128xf32, #tpu.memory_space<vmem>> -> memref<328x128xf32, #tpu.memory_space<vmem>>
        %dma_wait3A_92 = arith.constant 0 : i32
        %dma_wait3A_93 = tpu.memref_slice %arg2[%mul3A_2, %dma_wait3A_92] : memref<10000x128xf32, #tpu.memory_space<hbm>> -> memref<328x128xf32, #tpu.memory_space<hbm>>
        tpu.wait_dma2 semaphore(%run_scoped3A : memref<!tpu.dma_semaphore, #tpu.memory_space<semaphore_mem>>) src(%dma_wait3A_93 : memref<328x128xf32, #tpu.memory_space<hbm>>) dst(%dma_wait3A_91 : memref<328x128xf32, #tpu.memory_space<vmem>>)
        tpu.yield
      }) : () -> ()
      %broadcast_in_dim3A = arith.constant 0.000000e+00 : f32
      %broadcast_in_dim3A_9 = vector.broadcast %broadcast_in_dim3A : f32 to vector<16xf32>
      %broadcast_in_dim3A_10 = arith.constant 0.000000e+00 : f32
      %broadcast_in_dim3A_11 = vector.broadcast %broadcast_in_dim3A_10 : f32 to vector<16xf32>
      %broadcast_in_dim3A_12 = arith.constant 0.000000e+00 : f32
      %broadcast_in_dim3A_13 = vector.broadcast %broadcast_in_dim3A_12 : f32 to vector<16xf32>
      %broadcast_in_dim3A_14 = arith.constant 0.000000e+00 : f32
      %broadcast_in_dim3A_15 = vector.broadcast %broadcast_in_dim3A_14 : f32 to vector<16xf32>
      %broadcast_in_dim3A_16 = arith.constant 0.000000e+00 : f32
      %broadcast_in_dim3A_17 = vector.broadcast %broadcast_in_dim3A_16 : f32 to vector<16xf32>
      %broadcast_in_dim3A_18 = arith.constant 0.000000e+00 : f32
      %broadcast_in_dim3A_19 = vector.broadcast %broadcast_in_dim3A_18 : f32 to vector<16xf32>
      %broadcast_in_dim3A_20 = arith.constant 0.000000e+00 : f32
      %broadcast_in_dim3A_21 = vector.broadcast %broadcast_in_dim3A_20 : f32 to vector<16xf32>
      %broadcast_in_dim3A_22 = arith.constant 0.000000e+00 : f32
      %broadcast_in_dim3A_23 = vector.broadcast %broadcast_in_dim3A_22 : f32 to vector<16xf32>
      %scan3A = arith.constant 0 : i32
      %scan3A_24 = arith.constant 328 : i32
      %scan3A_25 = arith.addi %scan3A, %scan3A_24 : i32
      %scan3A_26 = arith.constant 1 : i32
      %scan3A_27:8 = scf.for %scan3A_76 = %scan3A to %scan3A_25 step %scan3A_26 iter_args(%scan3A_77 = %broadcast_in_dim3A_9, %scan3A_78 = %broadcast_in_dim3A_11, %scan3A_79 = %broadcast_in_dim3A_13, %scan3A_80 = %broadcast_in_dim3A_15, %scan3A_81 = %broadcast_in_dim3A_17, %scan3A_82 = %broadcast_in_dim3A_19, %scan3A_83 = %broadcast_in_dim3A_21, %scan3A_84 = %broadcast_in_dim3A_23) -> (vector<16xf32>, vector<16xf32>, vector<16xf32>, vector<16xf32>, vector<16xf32>, vector<16xf32>, vector<16xf32>, vector<16xf32>)  : i32 {
        %get3A = arith.index_cast %scan3A_76 : i32 to index
        %get3A_85 = arith.constant 0 : index
        %get3A_86 = tpu.vector_load %arg4[%get3A, %get3A_85] {strides = array<i32>} : memref<328x128xf32, #tpu.memory_space<vmem>>, vector<1x16xf32>,
        %get3A_87 = vector.shape_cast %get3A_86 : vector<1x16xf32> to vector<16xf32>
        %add3A_88 = arith.addf %scan3A_77, %get3A_87 : vector<16xf32>
        %get3A_89 = arith.index_cast %scan3A_76 : i32 to index
        %get3A_90 = arith.constant 16 : index
        %get3A_91 = tpu.vector_load %arg4[%get3A_89, %get3A_90] {strides = array<i32>} : memref<328x128xf32, #tpu.memory_space<vmem>>, vector<1x16xf32>,
        %get3A_92 = vector.shape_cast %get3A_91 : vector<1x16xf32> to vector<16xf32>
        %add3A_93 = arith.addf %scan3A_78, %get3A_92 : vector<16xf32>
        %get3A_94 = arith.index_cast %scan3A_76 : i32 to index
        %get3A_95 = arith.constant 32 : index
        %get3A_96 = tpu.vector_load %arg4[%get3A_94, %get3A_95] {strides = array<i32>} : memref<328x128xf32, #tpu.memory_space<vmem>>, vector<1x16xf32>,
        %get3A_97 = vector.shape_cast %get3A_96 : vector<1x16xf32> to vector<16xf32>
        %add3A_98 = arith.addf %scan3A_79, %get3A_97 : vector<16xf32>
        %get3A_99 = arith.index_cast %scan3A_76 : i32 to index
        %get3A_100 = arith.constant 48 : index
        %get3A_101 = tpu.vector_load %arg4[%get3A_99, %get3A_100] {strides = array<i32>} : memref<328x128xf32, #tpu.memory_space<vmem>>, vector<1x16xf32>,
        %get3A_102 = vector.shape_cast %get3A_101 : vector<1x16xf32> to vector<16xf32>
        %add3A_103 = arith.addf %scan3A_80, %get3A_102 : vector<16xf32>
        %get3A_104 = arith.index_cast %scan3A_76 : i32 to index
        %get3A_105 = arith.constant 64 : index
        %get3A_106 = tpu.vector_load %arg4[%get3A_104, %get3A_105] {strides = array<i32>} : memref<328x128xf32, #tpu.memory_space<vmem>>, vector<1x16xf32>,
        %get3A_107 = vector.shape_cast %get3A_106 : vector<1x16xf32> to vector<16xf32>
        %add3A_108 = arith.addf %scan3A_81, %get3A_107 : vector<16xf32>
        %get3A_109 = arith.index_cast %scan3A_76 : i32 to index
        %get3A_110 = arith.constant 80 : index
        %get3A_111 = tpu.vector_load %arg4[%get3A_109, %get3A_110] {strides = array<i32>} : memref<328x128xf32, #tpu.memory_space<vmem>>, vector<1x16xf32>,
        %get3A_112 = vector.shape_cast %get3A_111 : vector<1x16xf32> to vector<16xf32>
        %add3A_113 = arith.addf %scan3A_82, %get3A_112 : vector<16xf32>
        %get3A_114 = arith.index_cast %scan3A_76 : i32 to index
        %get3A_115 = arith.constant 96 : index
        %get3A_116 = tpu.vector_load %arg4[%get3A_114, %get3A_115] {strides = array<i32>} : memref<328x128xf32, #tpu.memory_space<vmem>>, vector<1x16xf32>,
        %get3A_117 = vector.shape_cast %get3A_116 : vector<1x16xf32> to vector<16xf32>
        %add3A_118 = arith.addf %scan3A_83, %get3A_117 : vector<16xf32>
        %get3A_119 = arith.index_cast %scan3A_76 : i32 to index
        %get3A_120 = arith.constant 112 : index
        %get3A_121 = tpu.vector_load %arg4[%get3A_119, %get3A_120] {strides = array<i32>} : memref<328x128xf32, #tpu.memory_space<vmem>>, vector<1x16xf32>,
        %get3A_122 = vector.shape_cast %get3A_121 : vector<1x16xf32> to vector<16xf32>
        %add3A_123 = arith.addf %scan3A_84, %get3A_122 : vector<16xf32>
        scf.yield %add3A_88, %add3A_93, %add3A_98, %add3A_103, %add3A_108, %add3A_113, %add3A_118, %add3A_123 : vector<16xf32>, vector<16xf32>, vector<16xf32>, vector<16xf32>, vector<16xf32>, vector<16xf32>, vector<16xf32>, vector<16xf32>
      }
      %scan3A_28 = arith.constant 328 : i32
      %swap3A = arith.constant 0 : i32
      %swap3A_29 = arith.index_cast %swap3A : i32 to index
      %swap3A_30 = arith.constant 0 : index
      %swap3A_31 = tpu.vector_load %arg5[%swap3A_29, %swap3A_30] {strides = array<i32>} : memref<1x128xf32, #tpu.memory_space<vmem>>, vector<1x16xf32>,
      %swap3A_32 = vector.shape_cast %swap3A_31 : vector<1x16xf32> to vector<16xf32>
      %swap3A_33 = vector.shape_cast %scan3A_27#0 : vector<16xf32> to vector<1x16xf32>
      tpu.vector_store %arg5[%swap3A_29, %swap3A_30], %swap3A_33 {strides = array<i32>} : memref<1x128xf32, #tpu.memory_space<vmem>>, vector<1x16xf32>,
      %swap3A_34 = arith.constant 0 : i32
      %swap3A_35 = arith.index_cast %swap3A_34 : i32 to index
      %swap3A_36 = arith.constant 16 : index
      %swap3A_37 = tpu.vector_load %arg5[%swap3A_35, %swap3A_36] {strides = array<i32>} : memref<1x128xf32, #tpu.memory_space<vmem>>, vector<1x16xf32>,
      %swap3A_38 = vector.shape_cast %swap3A_37 : vector<1x16xf32> to vector<16xf32>
      %swap3A_39 = vector.shape_cast %scan3A_27#1 : vector<16xf32> to vector<1x16xf32>
      tpu.vector_store %arg5[%swap3A_35, %swap3A_36], %swap3A_39 {strides = array<i32>} : memref<1x128xf32, #tpu.memory_space<vmem>>, vector<1x16xf32>,
      %swap3A_40 = arith.constant 0 : i32
      %swap3A_41 = arith.index_cast %swap3A_40 : i32 to index
      %swap3A_42 = arith.constant 32 : index
      %swap3A_43 = tpu.vector_load %arg5[%swap3A_41, %swap3A_42] {strides = array<i32>} : memref<1x128xf32, #tpu.memory_space<vmem>>, vector<1x16xf32>,
      %swap3A_44 = vector.shape_cast %swap3A_43 : vector<1x16xf32> to vector<16xf32>
      %swap3A_45 = vector.shape_cast %scan3A_27#2 : vector<16xf32> to vector<1x16xf32>
      tpu.vector_store %arg5[%swap3A_41, %swap3A_42], %swap3A_45 {strides = array<i32>} : memref<1x128xf32, #tpu.memory_space<vmem>>, vector<1x16xf32>,
      %swap3A_46 = arith.constant 0 : i32
      %swap3A_47 = arith.index_cast %swap3A_46 : i32 to index
      %swap3A_48 = arith.constant 48 : index
      %swap3A_49 = tpu.vector_load %arg5[%swap3A_47, %swap3A_48] {strides = array<i32>} : memref<1x128xf32, #tpu.memory_space<vmem>>, vector<1x16xf32>,
      %swap3A_50 = vector.shape_cast %swap3A_49 : vector<1x16xf32> to vector<16xf32>
      %swap3A_51 = vector.shape_cast %scan3A_27#3 : vector<16xf32> to vector<1x16xf32>
      tpu.vector_store %arg5[%swap3A_47, %swap3A_48], %swap3A_51 {strides = array<i32>} : memref<1x128xf32, #tpu.memory_space<vmem>>, vector<1x16xf32>,
      %swap3A_52 = arith.constant 0 : i32
      %swap3A_53 = arith.index_cast %swap3A_52 : i32 to index
      %swap3A_54 = arith.constant 64 : index
      %swap3A_55 = tpu.vector_load %arg5[%swap3A_53, %swap3A_54] {strides = array<i32>} : memref<1x128xf32, #tpu.memory_space<vmem>>, vector<1x16xf32>,
      %swap3A_56 = vector.shape_cast %swap3A_55 : vector<1x16xf32> to vector<16xf32>
      %swap3A_57 = vector.shape_cast %scan3A_27#4 : vector<16xf32> to vector<1x16xf32>
      tpu.vector_store %arg5[%swap3A_53, %swap3A_54], %swap3A_57 {strides = array<i32>} : memref<1x128xf32, #tpu.memory_space<vmem>>, vector<1x16xf32>,
      %swap3A_58 = arith.constant 0 : i32
      %swap3A_59 = arith.index_cast %swap3A_58 : i32 to index
      %swap3A_60 = arith.constant 80 : index
      %swap3A_61 = tpu.vector_load %arg5[%swap3A_59, %swap3A_60] {strides = array<i32>} : memref<1x128xf32, #tpu.memory_space<vmem>>, vector<1x16xf32>,
      %swap3A_62 = vector.shape_cast %swap3A_61 : vector<1x16xf32> to vector<16xf32>
      %swap3A_63 = vector.shape_cast %scan3A_27#5 : vector<16xf32> to vector<1x16xf32>
      tpu.vector_store %arg5[%swap3A_59, %swap3A_60], %swap3A_63 {strides = array<i32>} : memref<1x128xf32, #tpu.memory_space<vmem>>, vector<1x16xf32>,
      %swap3A_64 = arith.constant 0 : i32
      %swap3A_65 = arith.index_cast %swap3A_64 : i32 to index
      %swap3A_66 = arith.constant 96 : index
      %swap3A_67 = tpu.vector_load %arg5[%swap3A_65, %swap3A_66] {strides = array<i32>} : memref<1x128xf32, #tpu.memory_space<vmem>>, vector<1x16xf32>,
      %swap3A_68 = vector.shape_cast %swap3A_67 : vector<1x16xf32> to vector<16xf32>
      %swap3A_69 = vector.shape_cast %scan3A_27#6 : vector<16xf32> to vector<1x16xf32>
      tpu.vector_store %arg5[%swap3A_65, %swap3A_66], %swap3A_69 {strides = array<i32>} : memref<1x128xf32, #tpu.memory_space<vmem>>, vector<1x16xf32>,
      %swap3A_70 = arith.constant 0 : i32
      %swap3A_71 = arith.index_cast %swap3A_70 : i32 to index
      %swap3A_72 = arith.constant 112 : index
      %swap3A_73 = tpu.vector_load %arg5[%swap3A_71, %swap3A_72] {strides = array<i32>} : memref<1x128xf32, #tpu.memory_space<vmem>>, vector<1x16xf32>,
      %swap3A_74 = vector.shape_cast %swap3A_73 : vector<1x16xf32> to vector<16xf32>
      %swap3A_75 = vector.shape_cast %scan3A_27#7 : vector<16xf32> to vector<1x16xf32>
      tpu.vector_store %arg5[%swap3A_71, %swap3A_72], %swap3A_75 {strides = array<i32>} : memref<1x128xf32, #tpu.memory_space<vmem>>, vector<1x16xf32>,
      "tpu.region"() ({
        %run_scoped3A = tpu.sem_alloc : memref<!tpu.dma_semaphore, #tpu.memory_space<semaphore_mem>>
        %dma_start3A = arith.constant 0 : i32
        %dma_start3A_76 = tpu.memref_slice %arg3[%add3A, %dma_start3A] : memref<32x128xf32, #tpu.memory_space<hbm>> -> memref<1x128xf32, #tpu.memory_space<hbm>>
        %dma_start3A_77 = arith.constant 0 : i32
        %dma_start3A_78 = tpu.memref_slice %arg3[%add3A, %dma_start3A_77] : memref<32x128xf32, #tpu.memory_space<hbm>> -> memref<1x128xf32, #tpu.memory_space<hbm>>
        tpu.enqueue_dma source(%arg5 : memref<1x128xf32, #tpu.memory_space<vmem>>) target(%dma_start3A_78 : memref<1x128xf32, #tpu.memory_space<hbm>>) target_semaphore(%run_scoped3A : memref<!tpu.dma_semaphore, #tpu.memory_space<semaphore_mem>>)
        %dma_wait3A = arith.constant 0 : i32
        %dma_wait3A_79 = tpu.memref_slice %arg3[%add3A, %dma_wait3A] : memref<32x128xf32, #tpu.memory_space<hbm>> -> memref<1x128xf32, #tpu.memory_space<hbm>>
        %dma_wait3A_80 = arith.constant 0 : i32
        %dma_wait3A_81 = tpu.memref_slice %arg3[%add3A, %dma_wait3A_80] : memref<32x128xf32, #tpu.memory_space<hbm>> -> memref<1x128xf32, #tpu.memory_space<hbm>>
        tpu.wait_dma2 semaphore(%run_scoped3A : memref<!tpu.dma_semaphore, #tpu.memory_space<semaphore_mem>>) src(%arg5 : memref<1x128xf32, #tpu.memory_space<vmem>>) dst(%dma_wait3A_81 : memref<1x128xf32, #tpu.memory_space<hbm>>)
        tpu.yield
      }) : () -> ()
    } else {
    }
    return
  }
}

module attributes {stable_mosaic.version = 14 : i64} {
  func.func @body(%arg0: memref<10000x128xf32, #tpu.memory_space<vmem>>, %arg1: memref<1x128xf32, #tpu.memory_space<vmem>>, %arg2: memref<32x128xf32, #tpu.memory_space<vmem>>, %arg3: memref<10000x128xf32, #tpu.memory_space<vmem>>, %arg4: memref<1x10000xf32, #tpu.memory_space<vmem>>) attributes {dimension_semantics = [], scalar_prefetch = 0 : i64, scratch_operands = 0 : i64, tpu.core_type = #tpu.core_type<tc>} {
    %get3A = arith.constant 0 : index
    %get3A_0 = arith.constant 0 : index
    %get3A_1 = vector.load %arg0[%get3A, %get3A_0] : memref<10000x128xf32, #tpu.memory_space<vmem>>, vector<10000x128xf32>
    %get3A_2 = arith.constant 0 : index
    %get3A_3 = arith.constant 0 : index
    %get3A_4 = vector.load %arg1[%get3A_2, %get3A_3] : memref<1x128xf32, #tpu.memory_space<vmem>>, vector<1x128xf32>
    %mul3A = arith.mulf %get3A_4, %get3A_4 : vector<1x128xf32>
    %reduce_sum3A = vector.shape_cast %mul3A : vector<1x128xf32> to vector<1x1x128xf32>
    %reduce_sum3A_5 = arith.constant dense<0.000000e+00> : vector<1xf32>
    %reduce_sum3A_6 = vector.multi_reduction <add>, %reduce_sum3A, %reduce_sum3A_5 [1, 2] : vector<1x1x128xf32> to vector<1xf32>
    %reduce_sum3A_7 = vector.shape_cast %reduce_sum3A_6 : vector<1xf32> to vector<1x1x1xf32>
    %reduce_sum3A_8 = vector.extract %reduce_sum3A_7[0, 0, 0] : f32 from vector<1x1x1xf32>
    %rsqrt3A = math.rsqrt %reduce_sum3A_8 : f32
    %mul3A_9 = vector.broadcast %rsqrt3A : f32 to vector<1x128xf32>
    %mul3A_10 = arith.mulf %get3A_4, %mul3A_9 : vector<1x128xf32>
    %get3A_11 = arith.constant 0 : index
    %get3A_12 = arith.constant 0 : index
    %get3A_13 = vector.load %arg2[%get3A_11, %get3A_12] : memref<32x128xf32, #tpu.memory_space<vmem>>, vector<32x128xf32>
    %reduce_sum3A_14 = arith.constant dense<0.000000e+00> : vector<128xf32>
    %reduce_sum3A_15 = vector.multi_reduction <add>, %get3A_13, %reduce_sum3A_14 [0] : vector<32x128xf32> to vector<128xf32>
    %broadcast_in_dim3A = vector.shape_cast %reduce_sum3A_15 : vector<128xf32> to vector<1x128xf32>
    %mul3A_16 = arith.mulf %broadcast_in_dim3A, %mul3A_10 : vector<1x128xf32>
    %reduce_sum3A_17 = vector.shape_cast %mul3A_16 : vector<1x128xf32> to vector<1x1x128xf32>
    %reduce_sum3A_18 = arith.constant dense<0.000000e+00> : vector<1xf32>
    %reduce_sum3A_19 = vector.multi_reduction <add>, %reduce_sum3A_17, %reduce_sum3A_18 [1, 2] : vector<1x1x128xf32> to vector<1xf32>
    %reduce_sum3A_20 = vector.shape_cast %reduce_sum3A_19 : vector<1xf32> to vector<1x1x1xf32>
    %reduce_sum3A_21 = vector.extract %reduce_sum3A_20[0, 0, 0] : f32 from vector<1x1x1xf32>
    %div3A = arith.constant 1.000000e+04 : f32
    %div3A_22 = arith.divf %reduce_sum3A_21, %div3A : f32
    %dot_general3A = arith.constant dense<0.000000e+00> : vector<1x10000xf32>
    %dot_general3A_23 = tpu.matmul %mul3A_10, %get3A_1, %dot_general3A {dimension_numbers = #tpu.dot_dimension_numbers<[1], [1], [0], [0], [0, 0, 1, 0], [], []>, transpose_lhs_hint = false} : vector<1x128xf32>, vector<10000x128xf32>, vector<1x10000xf32> -> vector<1x10000xf32>
    %sub3A = vector.broadcast %div3A_22 : f32 to vector<1x10000xf32>
    %sub3A_24 = arith.subf %dot_general3A_23, %sub3A : vector<1x10000xf32>
    %tanh3A = math.tanh %sub3A_24 : vector<1x10000xf32>
    %swap3A = arith.constant 0 : index
    %swap3A_25 = arith.constant 0 : index
    %swap3A_26 = vector.load %arg4[%swap3A, %swap3A_25] : memref<1x10000xf32, #tpu.memory_space<vmem>>, vector<1x10000xf32>
    tpu.vector_store %arg4[%swap3A, %swap3A_25], %tanh3A {strides = array<i32>} : memref<1x10000xf32, #tpu.memory_space<vmem>>, vector<1x10000xf32>,
    %transpose3A = tpu.transpose %mul3A_10, [1, 0] : vector<1x128xf32> -> vector<128x1xf32>
    %broadcast_in_dim3A_27 = vector.shape_cast %transpose3A : vector<128x1xf32> to vector<128x1xf32>
    %broadcast_in_dim3A_28 = vector.broadcast %broadcast_in_dim3A_27 : vector<128x1xf32> to vector<128x128xf32>
    %dot_general3A_29 = arith.constant dense<0.000000e+00> : vector<10000x128xf32>
    %dot_general3A_30 = tpu.matmul %get3A_1, %broadcast_in_dim3A_28, %dot_general3A_29 {dimension_numbers = #tpu.dot_dimension_numbers<[1], [0], [0], [1], [0, 0, 1, 1], [], []>, transpose_lhs_hint = false} : vector<10000x128xf32>, vector<128x128xf32>, vector<10000x128xf32> -> vector<10000x128xf32>
    %sub3A_31 = vector.broadcast %div3A_22 : f32 to vector<10000x128xf32>
    %sub3A_32 = arith.subf %dot_general3A_30, %sub3A_31 : vector<10000x128xf32>
    %tanh3A_33 = math.tanh %sub3A_32 : vector<10000x128xf32>
    %mul3A_34 = arith.mulf %get3A_1, %tanh3A_33 : vector<10000x128xf32>
    %swap3A_35 = arith.constant 0 : index
    %swap3A_36 = arith.constant 0 : index
    %swap3A_37 = vector.load %arg3[%swap3A_35, %swap3A_36] : memref<10000x128xf32, #tpu.memory_space<vmem>>, vector<10000x128xf32>
    tpu.vector_store %arg3[%swap3A_35, %swap3A_36], %mul3A_34 {strides = array<i32>} : memref<10000x128xf32, #tpu.memory_space<vmem>>, vector<10000x128xf32>,
    return
  }
}

</mosaic_0001>

<sc_bundles>
// kernel: kernel.4.cloned.1.call-start
scs
__scs_entry_jumppad:
0x0: {  	(pc) =	sbr.rel $0x88, $3  }
0x1: {  	(tag) =	ssettag $0x0;
	lr =	simm.s32 $0x1  }
0x2: {  	[smem:$0x3F9F] =	sst lr;
	_ =	strace $0xD0000000  }
0x3: {  	_ = 	snop  }
0x4: {  	_ = 	snop  }
0x5: {  	_ = 	snop  }
0x6: {  	_ = 	snop  }
0x7: {  	_ = 	snop  }
__scs_overlays_trampoline_lowered:
0x8: {  	[smem:$0x3FAE] =	sst s0  }
0x9: {  	[smem:$0x3FAF] =	sst s1  }
0xa: {  	[smem:$0x3FB0] =	sst s2  }
0xb: {  	[smem:$0x3FB1] =	sst s3  }
0xc: {  	[smem:$0x3FB2] =	sst s4  }
0xd: {  	[smem:$0x3FB3] =	sst s5  }
0xe: {  	[smem:$0x3FB4] =	sst s6  }
0xf: {  	[smem:$0x3FB5] =	sst s7  }
0x10: {  	[smem:$0x3FB6] =	sst s8  }
0x11: {  	[smem:$0x3FB7] =	sst s9;
	s0 =	simm.s32 @!p0 $0x0  }
0x12: {  	s1 =	sld [smem:$0x3F9D];
	s0 =	simm.s32 @p0 $0x1  }
0x13: {  	[smem:$0x3FB8] =	sst s0;
	s0 =	simm.s32 @!p1 $0x0  }
0x14: {  	s2 =	sld [smem:$0x3F9C];
	s0 =	simm.s32 @p1 $0x1  }
0x15: {  	[smem:$0x3FB9] =	sst s0;
	s0 =	simm.s32 @!p2 $0x0  }
0x16: {  	s3 =	sld [smem:$0x3FDB];
	s0 =	simm.s32 @p2 $0x1  }
0x17: {  	s4 =	simm.s32 $0x1BF5;
	[smem:$0x3FBB] =	sst s0  }
0x18: {  	s0 =	sld [smem:$0x3F9E];
	_ =	swait.ge [sflag:s4], $0x0  }
0x19: {  	s7 =	sld [smem:$0x3F9F]  }
0x1a: {  	s8 =	sadd.s32 $0xFFFFE003, lr  }
0x1b: {  	s9 =	sadd.s32 $0xFFFFFEF7, lr;
	s5 =	simm.s32 $0xFFFFFFFF;
	p2 =	slt.u32 s8, $0xFFFFF086  }
0x1c: {  	p1 =	slt.u32 s9, $0xF7A;
	s5 =	simm.s32 @!p2 $0x0  }
0x1d: {  	s5 =	simm.s32 @p1 $0x1;
	p0 =	seq.s32 s7, s2  }
0x1e: {  	s7 =	smul.u32 @!p0 $0xF7A, s2;
	p2 =	seq.s32 @!p0 s5, $0x0  }
0x1f: {  	s9 =	smul.u32 $0xF7A, s1;
	s8 =	simm.s32 @!p0 $0x1BF5;
	p2 =	por !p2, p0  }
0x20: {  	[sflag:s8] =	ssyncset.s32 @!p0 $0xFFFFF086;
	s6 =	sadd.s32 @!p0 s3, s7;
	s7 =	simm.s32 @!p0 $0x108  }
0x21: {  	s3 =	sadd.s32 s3, s9;
	s6 =	sadd.s32 @!p0 $0x88, s6;
	s7 =	simm.s32 @p2 $0x1082  }
0x22: {  	[simem:s7], [sflag:s8] =	dma.local @!p0 [hbm:s6], $0xF7A  }
0x23: {  	s9 =	sor.u32 $0xD0000000, s2;
	s6 =	simm.s32 $0x108;
	_ =	swait.ge @!p0 [sflag:s8], $0x0  }
0x24: {  	s3 =	sadd.s32 $0x88, s3;
	s6 =	simm.s32 @!p1 $0x1082;
	[sflag:s4] =	ssyncset.s32 $0xFFFFF086  }
0x25: {  	[simem:s6], [sflag:s4] =	dma.local [hbm:s3], $0xF7A  }
0x26: {  	[smem:$0x3F9F] =	sst s1;
	(tag) =	ssettag s2;
	_ =	strace s9  }
0x27: {  	s1 =	sld [smem:$0x3FAF]  }
0x28: {  	s2 =	sld [smem:$0x3FB0]  }
0x29: {  	s4 =	sld [smem:$0x3FB2]  }
0x2a: {  	p0 =	seq.s32 s5, $0x0;
	s5 =	sld [smem:$0x3FB3]  }
0x2b: {  	s6 =	sld [smem:$0x3FB4]  }
0x2c: {  	s7 =	sld [smem:$0x3FB5]  }
0x2d: {  	s3 =	simm.s32 $0x108;
	s8 =	sld [smem:$0x3FB6]  }
0x2e: {  	s3 =	simm.s32 @!p0 $0x1082;
	s9 =	sld [smem:$0x3FB7]  }
0x2f: {  	lr =	sadd.s32 s0, s3;
	s0 =	sld [smem:$0x3FAE]  }
0x30: {  	s3 =	sld [smem:$0x3FB1]  }
0x31: {  	[smem:$0x3FBA] =	sst s10  }
0x32: {  	s10 =	sld [smem:$0x3FB8];
	_ =	sdelay $0x3  }
0x33: {  	p0 =	seq.s32 s10, $0x1;
	s10 =	sld [smem:$0x3FBA];
	_ =	sdelay $0x3  }
0x34: {  	[smem:$0x3FBA] =	sst s10  }
0x35: {  	s10 =	sld [smem:$0x3FB9];
	_ =	sdelay $0x3  }
0x36: {  	p1 =	seq.s32 s10, $0x1;
	s10 =	sld [smem:$0x3FBA];
	_ =	sdelay $0x3  }
0x37: {  	[smem:$0x3FBA] =	sst s10  }
0x38: {  	s10 =	sld [smem:$0x3FBB]  }
0x39: {  	_ = 	snop;
	(pc) =	sbr.ind lr, $3  }
0x3a: {  	_ = 	snop  }
0x3b: {  	_ = 	snop  }
0x3c: {  	p2 =	seq.s32 s10, $0x1;
	s10 =	sld [smem:$0x3FBA]  }
0x3d: {  	_ =	shalt  }
0x3e: {  	_ =	shalt  }
0x3f: {  	_ =	shalt  }
0x40: {  	_ =	shalt  }
0x41: {  	_ =	shalt  }
0x42: {  	_ =	shalt  }
0x43: {  	_ =	shalt  }
0x44: {  	_ =	shalt  }
0x45: {  	_ =	shalt  }
0x46: {  	_ =	shalt  }
0x47: {  	_ =	shalt  }
0x48: {  	_ =	shalt  }
0x49: {  	_ =	shalt  }
0x4a: {  	_ =	shalt  }
0x4b: {  	_ =	shalt  }
0x4c: {  	_ =	shalt  }
0x4d: {  	_ =	shalt  }
0x4e: {  	_ =	shalt  }
0x4f: {  	_ =	shalt  }
0x50: {  	_ =	shalt  }
0x51: {  	_ =	shalt  }
0x52: {  	_ =	shalt  }
0x53: {  	_ =	shalt  }
0x54: {  	_ =	shalt  }
0x55: {  	_ =	shalt  }
0x56: {  	_ =	shalt  }
0x57: {  	_ =	shalt  }
0x58: {  	_ =	shalt  }
0x59: {  	_ =	shalt  }
0x5a: {  	_ =	shalt  }
0x5b: {  	_ =	shalt  }
0x5c: {  	_ =	shalt  }
0x5d: {  	_ =	shalt  }
0x5e: {  	_ =	shalt  }
0x5f: {  	_ =	shalt  }
0x60: {  	_ =	shalt  }
0x61: {  	_ =	shalt  }
0x62: {  	_ =	shalt  }
0x63: {  	_ =	shalt  }
0x64: {  	_ =	shalt  }
0x65: {  	_ =	shalt  }
0x66: {  	_ =	shalt  }
0x67: {  	_ =	shalt  }
0x68: {  	_ =	shalt  }
0x69: {  	_ =	shalt  }
0x6a: {  	_ =	shalt  }
0x6b: {  	_ =	shalt  }
0x6c: {  	_ =	shalt  }
0x6d: {  	_ =	shalt  }
0x6e: {  	_ =	shalt  }
0x6f: {  	_ =	shalt  }
0x70: {  	_ =	shalt  }
0x71: {  	_ =	shalt  }
0x72: {  	_ =	shalt  }
0x73: {  	_ =	shalt  }
0x74: {  	_ =	shalt  }
0x75: {  	_ =	shalt  }
0x76: {  	_ =	shalt  }
0x77: {  	_ =	shalt  }
0x78: {  	_ =	shalt  }
0x79: {  	_ =	shalt  }
0x7a: {  	_ =	shalt  }
0x7b: {  	_ =	shalt  }
0x7c: {  	_ =	shalt  }
0x7d: {  	_ =	shalt  }
0x7e: {  	_ =	shalt  }
0x7f: {  	_ =	shalt  }
0x80: {  	_ =	shalt  }
0x81: {  	_ =	shalt  }
0x82: {  	_ =	shalt  }
0x83: {  	_ =	shalt  }
0x84: {  	_ =	shalt  }
0x85: {  	_ =	shalt  }
0x86: {  	_ =	shalt  }
0x87: {  	_ =	shalt  }
.Lfunc_end0:
.L_simem_size_0:
called_computation_lowered:
.L_overlay_start_0:
0x88: {  	s2 =	sld [smem:$0x3FD9]  }
0x89: {  	s3 =	sld [smem:$0x3FFE];
	_ =	sdelay $0x1  }
0x8a: {  	s1 =	srdreg.scid  }
0x8b: {  	s0 =	sand.u32 $0x1, s1  }
0x8c: {  	s15 =	sshll.u32 s0, $0xA;
	s2 =	sadd.s32 s3, s2  }
0x8d: {  	s2 =	sadd.s32 s2, s15  }
0x8e: {  	[smem:$0x3FC6] =	sst s2  }
0x8f: {  	_ = 	snop  }
0x90: {  	s2 =	sld [smem:$0x3FD0];
	_ =	sdelay $0x2  }
0x91: {  	s4 =	simm.s32 $0xA;
	s5 =	simm.s32 $0x10;
	s16 =	sld [smem:$0x3FC9]  }
0x92: {  	[smem:s5], [sflag:s4] =	dma.local [hbm:s2], $0x1  }
0x93: {  	_ =	swait.eq [sflag:s4], $0x1  }
0x94: {  	[sflag:s4] =	ssyncset.done $0x0  }
0x95: {  	[sflag:s4] =	ssyncadd.s32 $0xFFFFFFFF  }
0x96: {  	s17 =	sld [smem:$0x11];
	(tm) =	ssettm $0x1  }
0x97: {  	s18 =	sld [smem:$0x3FFB];
	_ =	sdelay $0x3  }
0x98: {  	_ =	strace s18  }
0x99: {  	s4 =	sld [smem:$0x3FFC];
	_ =	sdelay $0x3  }
0x9a: {  	_ =	strace s4  }
0x9b: {  	s4 =	sld [smem:$0x3FFD];
	_ =	sdelay $0x3  }
0x9c: {  	_ =	strace s4  }
0x9d: {  	_ =	strace $0x8FFFFFFF  }
0x9e: {  	s19 =	sld [smem:$0x3FDB];
	_ =	sdelay $0x1  }
0x9f: {  	s20 =	simm.s32 $_scs_section_size  }
0xa0: {  	s6 =	simm.s32 $_size__tile_overlayer_lowered;
	s7 =	simm.s32 $_tile_overlayer_lowered  }
0xa1: {  	s23 =	simm.s32 $0x1BFF;
	s22 =	sshll.u32 s7, $0x1;
	s4 =	sadd.s32 s20, s19  }
0xa2: {  	s8 =	simm.s32 $0x0;
	s21 =	sshll.u32 s6, $0x1;
	s6 =	sadd.s32 s22, s4  }
0xa3: {  	[timem:s8], [sflag:s23] =	dma.local [hbm:s6], s21  }
0xa4: {  	_ =	swait.ge [sflag:s23], s21  }
0xa5: {  	s5 =	ssub.s32 $0x0, s21;
	[sflag:s23] =	ssyncset.done $0x0  }
0xa6: {  	[sflag:s23] =	ssyncadd.s32 s5;
	_ =	sdelay $0x1  }
0xa7: {  	s24 =	simm.s32 $0x1B8B  }
0xa8: {  	_ =	swait.ge [sflag:s24], $0x1  }
0xa9: {  	[sflag:s24] =	ssyncset.done $0x0  }
0xaa: {  	s25 =	simm.s32 $0x1B8E;
	[sflag:s24] =	ssyncadd.s32 $0xFFFFFFFF  }
0xab: {  	s26 =	simm.s32 $execute0_lowered;
	[smem:$0x3FD2] =	sst s25  }
0xac: {  	s5 =	sshll.u32 s26, $0x1;
	_ =	strace $0x80000046;
	[dreg:$0x1] =	wrdreg $0xFFFFFFFF  }
0xad: {  	s28 =	simm.s32 $_size_execute0_lowered;
	s4 =	sadd.s32 s4, s5;
	[dreg:$0x0] =	wrdreg $0x0  }
0xae: {  	s5 =	sshll.u32 s28, $0x1;
	[dreg:$0x2] =	wrdreg s4  }
0xaf: {  	[dreg:$0x3] =	wrdreg s5  }
0xb0: {  	[dreg:$0x4] =	wrdreg $0xC0  }
0xb1: {  	_ =	task [dreg:s8], $0x5FFFF  }
0xb2: {  	[dreg:$0x1] =	wrdreg $0xFFFFFFFF  }
0xb3: {  	[dreg:$0x0] =	wrdreg $0x60  }
0xb4: {  	[dreg:$0x2] =	wrdreg s16  }
0xb5: {  	[dreg:$0x3] =	wrdreg s17  }
0xb6: {  	[dreg:$0x4] =	wrdreg $0x9  }
0xb7: {  	_ =	task.clear_ibuf [dreg:s8], $0x5FFFF;
	_ =	strace $0x90000046  }
0xb8: {  	s29 =	simm.s32 $0x9;
	_ =	strace $0x80000048  }
0xb9: {  	_ =	swait.ge [sflag:s29], $0x1  }
0xba: {  	[sflag:s29] =	ssyncadd.s32 $0xFFFFFFFF  }
0xbb: {  	_ =	strace $0x90000048  }
0xbc: {  	_ =	sfence  }
0xbd: {  	s30 =	sld [smem:$0x0];
	_ =	sdelay $0x2  }
0xbe: {  	s31 =	sshll.u32 s1, $0xD;
	s1 =	sshrl.u32 s1, $0x2  }
0xbf: {  	s3 =	sand.u32 $0x4000, s31;
	s1 =	sadd.s32 s1, s30  }
0xc0: {  	s0 =	sor.u32 s3, s0;
	s1 =	sshll.u32 s1, $0x11  }
0xc1: {  	s0 =	sor.u32 s1, s0  }
0xc2: {  	s0 =	sadd.s32 $0x8F2B, s0  }
0xc3: {  	[sflag:s0] =	ssyncadd.remote.s32 $0x1  }
0xc4: {  	_ =	sfence.sel $0xFFFF  }
0xc5: {  	[dreg:$0x0] =	wrdreg $0xFFFFFFFF;
	(pc) =	sbr.abs _section_cstart, $3  }
0xc6: {  	[dreg:$0x1] =	wrdreg $0xFFFFFFFF  }
0xc7: {  	_ =	task.clear_ibuf [dreg:s8], $0x2FFFF;
	_ =	strace $0x9FFFFFFF  }
0xc8: {  	(tm) =	ssettm $0x7FFFFFFF  }
0xc9: {  	_ =	shalt  }
tec
execute0_lowered:
.L_overlay_start_1:
0x0: {  	(tag) =	ssettag $0x1  }
0x1: {  	s5 =	rddreg [dreg:$0x0]  }
0x2: {  	s6 =	rddreg [dreg:$0x1];
	s2 =	srdreg.scid  }
0x3: {  	s1 =	stileid.u32;
	s0 =	rddreg [dreg:$0x2]  }
0x4: {  	s10 =	simm.s32 $0x0;
	s3 =	sand.u32 $0x1, s2;
	s4 =	sshll.u32 s1, $0x1  }
0x5: {  	s2 =	simm.s32 $0x0;
	s7 =	ssub.s32 $0x2, s3;
	s8 =	sor.u32 s3, s4  }
.Ltmp0:
0x6: {  	[smem:$0x7FF] =	sst s2;
	s31 =	sshrl.u32 s7, $0x1;
	(pc) =	sbr.rel .LBB2_1-.Ltmp0, $4  }
0x7: {  	s4 =	smul.u32 $0x1380, s8;
	_ =	strace $0x80000047;
	s9 =	sshll.u32 s8, $0x4  }
0x8: {  	p0 =	seq.s32 s8, $0x1F;
	s8 =	simm.s32 $0x1;
	s7 =	ssub.s32 s7, s31  }
0x9: {  	s3 =	sadd.s32 s5, s4;
	s4 =	sadd.s32 s6, s9;
	s5 =	sadd.s32 $0x25C80, s5  }
0xa: {  	s6 =	sadd.s32 $0x1F0, s6;
	s7 =	smax.u32 s7, $0x1;
	s9 =	simm.s32 $0xA400  }
.LBB2_7:
0xb: {  	v13 =	vld [tilespmem:s11+$0x70]  }
0xc: {  	v14 =	vld [tilespmem:s11+$0x0]  }
0xd: {  	v15 =	vld [tilespmem:s11+$0x10]  }
0xe: {  	v16 =	vld [tilespmem:s11+$0x20]  }
0xf: {  	v17 =	vld [tilespmem:s11+$0x30]  }
0x10: {  	v18 =	vld [tilespmem:s11+$0x40]  }
0x11: {  	v3 =	vadd.f32 v5, v3;
	v19 =	vld [tilespmem:s11+$0x50]  }
0x12: {  	v4 =	vadd.f32 v6, v4;
	v5 =	vadd.f32 v7, v10;
	v7 =	vld [tilespmem:s11+$0x60]  }
0x13: {  	v6 =	vadd.f32 v11, v8;
	v8 =	vadd.f32 v12, v9  }
0x14: {  	v0 =	vadd.f32 v13, v0;
	v1 =	vadd.f32 v14, v1  }
0x15: {  	v2 =	vadd.f32 v15, v2;
	v3 =	vadd.f32 v16, v3  }
0x16: {  	v4 =	vadd.f32 v17, v4;
	v5 =	vadd.f32 v18, v5  }
0x17: {  	s11 =	smov.u32 s6;
	v6 =	vadd.f32 v19, v6;
	v7 =	vadd.f32 v7, v8  }
.LBB2_8:
0x18: {  	[tilespmem:$0xA400] =	vst v1  }
0x19: {  	[tilespmem:$0xA410] =	vst v2  }
0x1a: {  	[tilespmem:$0xA420] =	vst v3  }
0x1b: {  	[tilespmem:$0xA430] =	vst v4  }
0x1c: {  	[tilespmem:$0xA440] =	vst v5  }
0x1d: {  	[tilespmem:$0xA470] =	vst v0;
	s10 =	sadd.s32 $0x1, s10  }
0x1e: {  	[tilespmem:$0xA450] =	vst v6;
	p1 =	sne.s32 s10, s7  }
.Ltmp1:
0x1f: {  	[tilespmem:$0xA460] =	vst v7;
	(pc) =	sbr.rel @!p1 .LBB2_9-.Ltmp1, $4  }
0x20: {  	[hbm4b:s11+s2] =	stream.linear.scatter [tilespmem:s9], [sflag:$0x1], $0x80, $0x38;
	[tilespmem:$0xA480] =	vst v63  }
0x21: {  	_ =	swait.ge [sflag:s8], $0x80  }
0x22: {  	[sflag:s8] =	ssyncset.done $0x0  }
0x23: {  	[sflag:s8] =	ssyncadd.s32 $0xFFFFFF80  }
.LBB2_1:
.Ltmp2:
0x24: {  	(pc) =	sbr.rel @!p0 .LBB2_2-.Ltmp2, $2  }
0x25: {  	_ =	sdelay $0x2  }
0x26: {  	s11 =	simm.s32 $0x0  }
0x27: {  	[tilespmem:s11], [sflag:$0x1] =	stream.linear.gather [hbm4b:s5+s11], $0xA400, $0x38;
	[tilespmem:$0xA480] =	vst v63  }
0x28: {  	_ =	swait.ge [sflag:s8], $0xA400  }
0x29: {  	[sflag:s8] =	ssyncset.done $0x0  }
0x2a: {  	s13 =	simm.s32 $0x0;
	[sflag:s8] =	ssyncadd.s32 $0xFFFF5C00  }
0x2b: {  	v0 =	vld [tilespmem:s13+$0x70]  }
0x2c: {  	v1 =	vld [tilespmem:s13+$0x0]  }
0x2d: {  	v2 =	vld [tilespmem:s13+$0x10]  }
0x2e: {  	v5 =	vld [tilespmem:s13+$0x20]  }
0x2f: {  	v6 =	vld [tilespmem:s13+$0x30]  }
0x30: {  	v3 =	vimm.f32 $0.0e+00;
	v4 =	vimm.f32 $0.0e+00;
	v7 =	vld [tilespmem:s13+$0x40]  }
0x31: {  	v10 =	vimm.f32 $0.0e+00;
	v8 =	vimm.f32 $0.0e+00;
	v11 =	vld [tilespmem:s13+$0x50];
	v0 =	vadd.f32 v0, v3  }
0x32: {  	s11 =	simm.s32 $0x80;
	s12 =	simm.s32 $0x400;
	v9 =	vimm.f32 $0.0e+00;
	v12 =	vld [tilespmem:s13+$0x60];
	v1 =	vadd.f32 v1, v3;
	v2 =	vadd.f32 v2, v3  }
.LBB2_6:
0x33: {  	p1 =	sne.s32 s12, $0x28E00;
	v13 =	vld [tilespmem:s11+$0x70];
	v3 =	vadd.f32 v5, v3  }
0x34: {  	v4 =	vadd.f32 v6, v4;
	v14 =	vld [tilespmem:s11+$0x0]  }
0x35: {  	v10 =	vadd.f32 v7, v10;
	v15 =	vld [tilespmem:s11+$0x10]  }
.Ltmp3:
0x36: {  	v8 =	vadd.f32 v11, v8;
	v5 =	vld [tilespmem:s11+$0x20];
	(pc) =	sbr.rel @p1 .LBB2_6-.Ltmp3, $4  }
0x37: {  	v9 =	vadd.f32 v12, v9;
	v6 =	vld [tilespmem:s11+$0x30]  }
0x38: {  	v7 =	vld [tilespmem:s11+$0x40];
	v0 =	vadd.f32 v13, v0  }
0x39: {  	v1 =	vadd.f32 v14, v1;
	v11 =	vld [tilespmem:s11+$0x50]  }
0x3a: {  	v2 =	vadd.f32 v15, v2;
	v12 =	vld [tilespmem:s11+$0x60];
	s11 =	sshra.s32 s12, $0x2;
	s12 =	sadd.s32 $0x200, s12  }
.Ltmp4:
0x3b: {  	_ = 	snop;
	(pc) =	sbr.rel .LBB2_7-.Ltmp4, $1  }
0x3c: {  	_ =	sdelay $0x3  }
.LBB2_2:
0x3d: {  	[tilespmem:s11], [sflag:$0x1] =	stream.linear.gather [hbm4b:s3+s11], $0x9C00, $0x38;
	[tilespmem:$0xA480] =	vst v63  }
0x3e: {  	_ =	swait.ge [sflag:s8], $0x9C00  }
0x3f: {  	[sflag:s8] =	ssyncset.done $0x0  }
0x40: {  	s13 =	simm.s32 $0x0;
	[sflag:s8] =	ssyncadd.s32 $0xFFFF6400  }
0x41: {  	v0 =	vld [tilespmem:s13+$0x70]  }
0x42: {  	v1 =	vld [tilespmem:s13+$0x0]  }
0x43: {  	v2 =	vld [tilespmem:s13+$0x10]  }
0x44: {  	v5 =	vld [tilespmem:s13+$0x20]  }
0x45: {  	v6 =	vld [tilespmem:s13+$0x30]  }
0x46: {  	v3 =	vimm.f32 $0.0e+00;
	v4 =	vimm.f32 $0.0e+00;
	v7 =	vld [tilespmem:s13+$0x40]  }
0x47: {  	v10 =	vimm.f32 $0.0e+00;
	v8 =	vimm.f32 $0.0e+00;
	v11 =	vld [tilespmem:s13+$0x50];
	v0 =	vadd.f32 v0, v3  }
0x48: {  	s11 =	simm.s32 $0x80;
	s12 =	simm.s32 $0x400;
	v9 =	vimm.f32 $0.0e+00;
	v12 =	vld [tilespmem:s13+$0x60];
	v1 =	vadd.f32 v1, v3;
	v2 =	vadd.f32 v2, v3  }
.LBB2_3:
0x49: {  	p1 =	seq.s32 s12, $0x26E00;
	v13 =	vld [tilespmem:s11+$0x70];
	v3 =	vadd.f32 v5, v3  }
0x4a: {  	v14 =	vld [tilespmem:s11+$0x0];
	v4 =	vadd.f32 v6, v4  }
0x4b: {  	v15 =	vld [tilespmem:s11+$0x10];
	v10 =	vadd.f32 v7, v10  }
.Ltmp5:
0x4c: {  	v5 =	vld [tilespmem:s11+$0x20];
	v8 =	vadd.f32 v11, v8;
	(pc) =	sbr.rel @!p1 .LBB2_3-.Ltmp5, $4  }
0x4d: {  	v6 =	vld [tilespmem:s11+$0x30];
	v9 =	vadd.f32 v12, v9  }
0x4e: {  	v7 =	vld [tilespmem:s11+$0x40];
	v0 =	vadd.f32 v13, v0  }
0x4f: {  	v1 =	vadd.f32 v14, v1;
	v11 =	vld [tilespmem:s11+$0x50]  }
0x50: {  	v2 =	vadd.f32 v15, v2;
	v12 =	vld [tilespmem:s11+$0x60];
	s11 =	sshra.s32 s12, $0x2;
	s12 =	sadd.s32 $0x200, s12  }
0x51: {  	v13 =	vld [tilespmem:s11+$0x70]  }
0x52: {  	v14 =	vld [tilespmem:s11+$0x0]  }
0x53: {  	v15 =	vld [tilespmem:s11+$0x10]  }
0x54: {  	v16 =	vld [tilespmem:s11+$0x20]  }
0x55: {  	v17 =	vld [tilespmem:s11+$0x30]  }
0x56: {  	v18 =	vld [tilespmem:s11+$0x40]  }
0x57: {  	v3 =	vadd.f32 v5, v3;
	v19 =	vld [tilespmem:s11+$0x50]  }
0x58: {  	v4 =	vadd.f32 v6, v4;
	v5 =	vadd.f32 v7, v10;
	v7 =	vld [tilespmem:s11+$0x60]  }
.Ltmp6:
0x59: {  	v6 =	vadd.f32 v11, v8;
	v8 =	vadd.f32 v12, v9;
	(pc) =	sbr.rel .LBB2_8-.Ltmp6, $4  }
0x5a: {  	v0 =	vadd.f32 v13, v0;
	v1 =	vadd.f32 v14, v1  }
0x5b: {  	v2 =	vadd.f32 v15, v2;
	v3 =	vadd.f32 v16, v3  }
0x5c: {  	v4 =	vadd.f32 v17, v4;
	v5 =	vadd.f32 v18, v5  }
0x5d: {  	s11 =	smov.u32 s4;
	v6 =	vadd.f32 v19, v6;
	v7 =	vadd.f32 v7, v8  }
.LBB2_9:
0x5e: {  	_ =	sfence.sel $0x180000  }
0x5f: {  	[bflag:$0x0] =	sbarrier.arrive $0xFFFF  }
0x60: {  	p0 =	sne.s32 s1, $0x0;
	_ =	strace $0x90000047  }
0x61: {  	s0 =	sadd.s32 @!p0 $0x100000, s0;
	[bflag:$0x2] =	sbarrier.arrive $0xFFFF  }
0x62: {  	[sflag:s0] =	ssyncadd.tile.s32 @!p0 $0x1;
	_ =	shalt  }
.Lfunc_end2:
_tile_overlayer_lowered:
.L_overlay_start_2:
0x63: {  	(tag) =	ssettag $0x2  }
0x64: {  	s0 =	rddreg [dreg:$0x0];
	s2 =	stileid.u32  }
0x65: {  	s1 =	rddreg [dreg:$0x1];
	p0 =	sne.s32 s2, $0x0  }
0x66: {  	s3 =	rddreg [dreg:$0x2];
	[bflag:$0x3] =	sbarrier.arrive $0xFFFF;
	s2 =	simm.s32 @!p0 $0x1C01  }
0x67: {  	[timem:s3], [sflag:s2] =	dma.local @!p0 [hbm:s0], s1  }
0x68: {  	s0 =	simm.s32 @!p0 $0x1  }
0x69: {  	_ =	swait.ge @!p0 [sflag:s0], s1  }
0x6a: {  	s1 =	ssub.s32 @!p0 $0x0, s1;
	[sflag:s0] =	ssyncset.done @!p0 $0x0  }
0x6b: {  	[sflag:s0] =	ssyncadd.s32 @!p0 s1  }
0x6c: {  	[bflag:$0x3] =	sbarrier.arrive $0xFFFF  }
0x6d: {  	_ =	shalt  }

</sc_bundles>
